<compile_context>
chip_gen: v7x
topology: tpu7x:2x2x1
jax: 0.10.2.dev20260603
libtpu: 0.0.44.dev20260713+nightly
codegen_flags: <defaults>
</compile_context>

<pallas_src>
import functools

import jax
import jax.numpy as jnp
from jax import lax
from jax.experimental import pallas as pl
from jax.experimental.pallas import tpu as pltpu
from jax.experimental.pallas import tpu_sc as plsc

NUM_ROWS = 100000
LATENT_DIM = 64
RANK = 16
NUM_STEERS = 2
EPSILON = 0.001
BATCH = 4096
_PAIR = 2 * LATENT_DIM

_NC = 2
_NS = 16
_NW = _NC * _NS
_B_PER_W = BATCH // _NW

_PACK_ROWS = 2048
_PACK_GRID = -(-NUM_ROWS // _PACK_ROWS)
_PACKED = _PACK_GRID * (_PACK_ROWS // 2)


def _tc_pack_body(x_ref, out_ref):
    x = x_ref[...]
    eye = (lax.broadcasted_iota(jnp.int32, (LATENT_DIM, LATENT_DIM), 0) ==
           lax.broadcasted_iota(jnp.int32, (LATENT_DIM, LATENT_DIM), 1)
           ).astype(jnp.float32)
    xt = lax.dot_general(x, eye, (((0,), (0,)), ((), ())),
                         preferred_element_type=jnp.float32)
    half = _PACK_ROWS // 2
    out_ref[...] = jnp.concatenate([xt[:half], xt[half:]], axis=1)


_tc_pack = pl.pallas_call(
    _tc_pack_body,
    grid=(_PACK_GRID,),
    in_specs=[pl.BlockSpec((LATENT_DIM, _PACK_ROWS), lambda i: (0, i))],
    out_specs=pl.BlockSpec((_PACK_ROWS // 2, _PAIR), lambda i: (i, 0)),
    out_shape=jax.ShapeDtypeStruct((_PACKED, _PAIR), jnp.float32),
)


def _sc_gather_body(uidx_hbm, iidx_hbm, uemb_hbm, iemb_hbm,
                    uout_hbm, iout_hbm,
                    uidx_v, iidx_v, urows_v, irows_v, sem_u, sem_i):
    wid = lax.axis_index("s") * _NC + lax.axis_index("c")
    base = wid * _B_PER_W
    pltpu.sync_copy(uidx_hbm.at[pl.ds(base, _B_PER_W)], uidx_v)
    pltpu.sync_copy(iidx_hbm.at[pl.ds(base, _B_PER_W)], iidx_v)
    cu = pltpu.async_copy(uemb_hbm.at[uidx_v], urows_v, sem_u)
    ci = pltpu.async_copy(iemb_hbm.at[iidx_v], irows_v, sem_i)
    cu.wait()
    ci.wait()
    pltpu.sync_copy(urows_v, uout_hbm.at[pl.ds(base, _B_PER_W)])
    pltpu.sync_copy(irows_v, iout_hbm.at[pl.ds(base, _B_PER_W)])


@functools.cache
def _sc_gather():
    return pl.kernel(
        _sc_gather_body,
        out_type=(
            jax.ShapeDtypeStruct((BATCH, _PAIR), jnp.float32),
            jax.ShapeDtypeStruct((BATCH, _PAIR), jnp.float32),
        ),
        mesh=plsc.VectorSubcoreMesh(core_axis_name="c", subcore_axis_name="s"),
        scratch_types=[
            pltpu.VMEM((_B_PER_W,), jnp.int32),
            pltpu.VMEM((_B_PER_W,), jnp.int32),
            pltpu.VMEM((_B_PER_W, _PAIR), jnp.float32),
            pltpu.VMEM((_B_PER_W, _PAIR), jnp.float32),
            pltpu.SemaphoreType.DMA,
            pltpu.SemaphoreType.DMA,
        ],
    )


def _tc_score_body(sv_ref, up_ref, ip_ref, upar_ref, ipar_ref,
                   p1_ref, p2_ref, out_ref):
    a = None
    for s in range(NUM_STEERS):
        p1s = p1_ref[s]
        p2s = p2_ref[s]
        contrib = sv_ref[0, s] * lax.dot_general(
            p1s, p2s, (((1,), (1,)), ((), ())),
            preferred_element_type=jnp.float32)
        a = contrib if a is None else a + contrib
    up = up_ref[...]
    ip = ip_ref[...]
    u = jnp.where(upar_ref[...] == 1, up[:, LATENT_DIM:], up[:, :LATENT_DIM])
    v = jnp.where(ipar_ref[...] == 1, ip[:, LATENT_DIM:], ip[:, :LATENT_DIM])
    t = lax.dot_general(v, a, (((1,), (0,)), ((), ())),
                        preferred_element_type=jnp.float32)
    out_ref[...] = jnp.sum(u * (v + EPSILON * t), axis=1, keepdims=True)


_tc_score = pl.pallas_call(
    _tc_score_body,
    out_shape=jax.ShapeDtypeStruct((BATCH, 1), jnp.float32),
    in_specs=[
        pl.BlockSpec(memory_space=pltpu.SMEM),
        pl.BlockSpec(memory_space=pltpu.VMEM),
        pl.BlockSpec(memory_space=pltpu.VMEM),
        pl.BlockSpec(memory_space=pltpu.VMEM),
        pl.BlockSpec(memory_space=pltpu.VMEM),
        pl.BlockSpec(memory_space=pltpu.VMEM),
        pl.BlockSpec(memory_space=pltpu.VMEM),
    ],
)


def kernel(users, items, user_emb, item_emb, projector1, projector2,
           steer_values):
    users = users.astype(jnp.int32)
    items = items.astype(jnp.int32)
    upair = _tc_pack(user_emb.T)
    ipair = _tc_pack(item_emb.T)
    half = _PACK_ROWS // 2
    upk = users // _PACK_ROWS * half + users % _PACK_ROWS % half
    ipk = items // _PACK_ROWS * half + items % _PACK_ROWS % half
    upar = users % _PACK_ROWS // half
    ipar = items % _PACK_ROWS // half
    u_rows, v_rows = _sc_gather()(upk, ipk, upair, ipair)
    return _tc_score(steer_values,
                     u_rows, v_rows,
                     upar.reshape(BATCH, 1),
                     ipar.reshape(BATCH, 1),
                     projector1, projector2).reshape(BATCH)

# --- scband reference (transcript-rebuilt; emitter-appended) ---
"""Pipeline reference for scband-steer-model-86346022519145 (READ-ONLY COPY).

The authoritative reference and input builder live on the scoring server;
editing this copy changes nothing except your own understanding.
"""

import jax, jax.numpy as jnp
import numpy as np

NUM_USERS = 100000
NUM_ITEMS = 100000
LATENT_DIM = 64
RANK = 16
NUM_STEERS = 2
INIT_VAR = 0.01
EPSILON = 0.001
BATCH = 4096


def setup_inputs(seed: int = 0) -> dict:
    key = jax.random.key(seed)
    k1, k2, k3, k4, k5, k6 = jax.random.split(key, 6)
    users = jax.random.randint(k1, (BATCH,), 0, NUM_USERS, dtype=jnp.int64) if jax.config.jax_enable_x64 else jax.random.randint(k1, (BATCH,), 0, NUM_USERS).astype(jnp.int32)
    items = jax.random.randint(k2, (BATCH,), 0, NUM_ITEMS).astype(users.dtype)
    user_emb = jax.random.normal(k3, (NUM_USERS, LATENT_DIM), dtype=jnp.float32) * 0.1
    item_emb = jax.random.normal(k4, (NUM_ITEMS, LATENT_DIM), dtype=jnp.float32) * 0.1
    projector1 = jax.random.normal(k5, (NUM_STEERS, LATENT_DIM, RANK), dtype=jnp.float32) * INIT_VAR
    projector2 = jax.random.normal(k6, (NUM_STEERS, LATENT_DIM, RANK), dtype=jnp.float32) * INIT_VAR
    steer_values = jnp.full((1, NUM_STEERS), 0.5, dtype=jnp.float32)
    return {"users": users, "items": items, "user_emb": user_emb, "item_emb": item_emb,
            "projector1": projector1, "projector2": projector2, "steer_values": steer_values}


def _steer_multiply(state, projector1, projector2, steer_values, epsilon):
    # state: [V, d]; projector1/2: [S, d, r]; steer_values: [1, S]
    a = state[:, None, None, :]                      # [V, 1, 1, d]
    b = projector1[None]                             # [1, S, d, r]
    delta = jnp.matmul(a, b)                         # [V, S, 1, r]
    delta = delta * steer_values[:, :, None, None]   # broadcast [1, S, 1, 1]
    p2t = jnp.transpose(projector2, (0, 2, 1))[None] # [1, S, r, d]
    delta = jnp.matmul(delta, p2t)                   # [V, S, 1, d]
    delta = jnp.sum(delta, axis=1)                   # [V, 1, d]
    delta = jnp.squeeze(delta)                       # [V, d]
    return state + epsilon * delta


def reference(users, items, user_emb, item_emb, projector1, projector2, steer_values):
    # steer applied to the full item embedding table (SteerNet.forward, multiply adapter)
    all_items = _steer_multiply(item_emb, projector1, projector2, steer_values, EPSILON)
    all_users = user_emb  # computer() identity split (rec_model params frozen, propagation pass-through)
    users_emb = jnp.take(all_users, users, axis=0)   # [B, d]
    items_emb = jnp.take(all_items, items, axis=0)   # [B, d]
    inner_pro = users_emb * items_emb
    gamma = jnp.sum(inner_pro, axis=1)               # [B]
    return gamma

if __name__ == "__main__":
    import jax
    _d = setup_inputs()
    print(jax.jit(kernel)(*tuple(_d.values())))

</pallas_src>

<mosaic_0001>
#map = affine_map<(d0, d1) -> (0)>
#map1 = affine_map<(d0, d1) -> (0, 0)>
module attributes {stable_mosaic.version = 14 : i64} {
  func.func @_sc_gather_body(%arg0: i32, %arg1: i32, %arg2: memref<4096xi32, #tpu.memory_space<hbm>>, %arg3: memref<4096xi32, #tpu.memory_space<hbm>>, %arg4: memref<50176x128xf32, #tpu.memory_space<hbm>>, %arg5: memref<50176x128xf32, #tpu.memory_space<hbm>>, %arg6: memref<4096x128xf32, #tpu.memory_space<hbm>>, %arg7: memref<4096x128xf32, #tpu.memory_space<hbm>>, %arg8: memref<128xi32, #tpu.memory_space<vmem>>, %arg9: memref<128xi32, #tpu.memory_space<vmem>>, %arg10: memref<128x128xf32, #tpu.memory_space<vmem>>, %arg11: memref<128x128xf32, #tpu.memory_space<vmem>>, %arg12: memref<!tpu.dma_semaphore, #tpu.memory_space<semaphore_mem>>, %arg13: memref<!tpu.dma_semaphore, #tpu.memory_space<semaphore_mem>>) attributes {dimension_semantics = [#tpu.dimension_semantics<core_parallel>, #tpu.dimension_semantics<subcore_parallel>], iteration_bounds = array<i64: 2, 16>, scalar_prefetch = 0 : i64, scratch_operands = 6 : i64, tpu.core_type = #tpu.core_type<sc_vector_subcore>, window_params = [{transform_indices = #map}, {transform_indices = #map}, {transform_indices = #map1}, {transform_indices = #map1}, {transform_indices = #map1}, {transform_indices = #map1}]} {
    %mul3A = arith.constant 2 : i32
    %mul3A_0 = arith.muli %arg1, %mul3A : i32
    %add3A = arith.addi %mul3A_0, %arg0 : i32
    %mul3A_1 = arith.constant 128 : i32
    %mul3A_2 = arith.muli %add3A, %mul3A_1 : i32
    "tpu.region"() ({
      %run_scoped3A = tpu.sem_alloc : memref<!tpu.dma_semaphore, #tpu.memory_space<semaphore_mem>>
      %dma_start3A_13 = tpu.memref_slice %arg2[%mul3A_2] : memref<4096xi32, #tpu.memory_space<hbm>> -> memref<128xi32, #tpu.memory_space<hbm>>
      %dma_start3A_14 = tpu.memref_slice %arg2[%mul3A_2] : memref<4096xi32, #tpu.memory_space<hbm>> -> memref<128xi32, #tpu.memory_space<hbm>>
      tpu.enqueue_dma source(%dma_start3A_14 : memref<128xi32, #tpu.memory_space<hbm>>) target(%arg8 : memref<128xi32, #tpu.memory_space<vmem>>) target_semaphore(%run_scoped3A : memref<!tpu.dma_semaphore, #tpu.memory_space<semaphore_mem>>)
      %dma_wait3A_15 = tpu.memref_slice %arg2[%mul3A_2] : memref<4096xi32, #tpu.memory_space<hbm>> -> memref<128xi32, #tpu.memory_space<hbm>>
      %dma_wait3A_16 = tpu.memref_slice %arg2[%mul3A_2] : memref<4096xi32, #tpu.memory_space<hbm>> -> memref<128xi32, #tpu.memory_space<hbm>>
      tpu.wait_dma2 semaphore(%run_scoped3A : memref<!tpu.dma_semaphore, #tpu.memory_space<semaphore_mem>>) src(%dma_wait3A_16 : memref<128xi32, #tpu.memory_space<hbm>>) dst(%arg8 : memref<128xi32, #tpu.memory_space<vmem>>)
      tpu.yield
    }) : () -> ()
    "tpu.region"() ({
      %run_scoped3A = tpu.sem_alloc : memref<!tpu.dma_semaphore, #tpu.memory_space<semaphore_mem>>
      %dma_start3A_13 = tpu.memref_slice %arg3[%mul3A_2] : memref<4096xi32, #tpu.memory_space<hbm>> -> memref<128xi32, #tpu.memory_space<hbm>>
      %dma_start3A_14 = tpu.memref_slice %arg3[%mul3A_2] : memref<4096xi32, #tpu.memory_space<hbm>> -> memref<128xi32, #tpu.memory_space<hbm>>
      tpu.enqueue_dma source(%dma_start3A_14 : memref<128xi32, #tpu.memory_space<hbm>>) target(%arg9 : memref<128xi32, #tpu.memory_space<vmem>>) target_semaphore(%run_scoped3A : memref<!tpu.dma_semaphore, #tpu.memory_space<semaphore_mem>>)
      %dma_wait3A_15 = tpu.memref_slice %arg3[%mul3A_2] : memref<4096xi32, #tpu.memory_space<hbm>> -> memref<128xi32, #tpu.memory_space<hbm>>
      %dma_wait3A_16 = tpu.memref_slice %arg3[%mul3A_2] : memref<4096xi32, #tpu.memory_space<hbm>> -> memref<128xi32, #tpu.memory_space<hbm>>
      tpu.wait_dma2 semaphore(%run_scoped3A : memref<!tpu.dma_semaphore, #tpu.memory_space<semaphore_mem>>) src(%dma_wait3A_16 : memref<128xi32, #tpu.memory_space<hbm>>) dst(%arg9 : memref<128xi32, #tpu.memory_space<vmem>>)
      tpu.yield
    }) : () -> ()
    %dma_start3A = arith.constant 0 : i32
    %dma_start3A_3 = arith.constant 0 : i32
    %dma_start3A_4 = tpu.memref_slice %arg4[%dma_start3A, %dma_start3A_3] : memref<50176x128xf32, #tpu.memory_space<hbm>> -> memref<50176x128xf32, #tpu.memory_space<hbm>>
    tpu.enqueue_indirect_dma source(%dma_start3A_4 : memref<50176x128xf32, #tpu.memory_space<hbm>>) target(%arg10 : memref<128x128xf32, #tpu.memory_space<vmem>>) offsets(%arg8 : memref<128xi32, #tpu.memory_space<vmem>>) semaphore(%arg12 : memref<!tpu.dma_semaphore, #tpu.memory_space<semaphore_mem>>)
    %dma_start3A_5 = arith.constant 0 : i32
    %dma_start3A_6 = arith.constant 0 : i32
    %dma_start3A_7 = tpu.memref_slice %arg5[%dma_start3A_5, %dma_start3A_6] : memref<50176x128xf32, #tpu.memory_space<hbm>> -> memref<50176x128xf32, #tpu.memory_space<hbm>>
    tpu.enqueue_indirect_dma source(%dma_start3A_7 : memref<50176x128xf32, #tpu.memory_space<hbm>>) target(%arg11 : memref<128x128xf32, #tpu.memory_space<vmem>>) offsets(%arg9 : memref<128xi32, #tpu.memory_space<vmem>>) semaphore(%arg13 : memref<!tpu.dma_semaphore, #tpu.memory_space<semaphore_mem>>)
    %dma_wait3A = arith.constant 0 : i32
    %dma_wait3A_8 = arith.constant 0 : i32
    %dma_wait3A_9 = tpu.memref_slice %arg4[%dma_wait3A, %dma_wait3A_8] : memref<50176x128xf32, #tpu.memory_space<hbm>> -> memref<50176x128xf32, #tpu.memory_space<hbm>>
    tpu.wait_indirect_dma semaphore(%arg12 : memref<!tpu.dma_semaphore, #tpu.memory_space<semaphore_mem>>) src(%dma_wait3A_9 : memref<50176x128xf32, #tpu.memory_space<hbm>>) dst(%arg10 : memref<128x128xf32, #tpu.memory_space<vmem>>)
    %dma_wait3A_10 = arith.constant 0 : i32
    %dma_wait3A_11 = arith.constant 0 : i32
    %dma_wait3A_12 = tpu.memref_slice %arg5[%dma_wait3A_10, %dma_wait3A_11] : memref<50176x128xf32, #tpu.memory_space<hbm>> -> memref<50176x128xf32, #tpu.memory_space<hbm>>
    tpu.wait_indirect_dma semaphore(%arg13 : memref<!tpu.dma_semaphore, #tpu.memory_space<semaphore_mem>>) src(%dma_wait3A_12 : memref<50176x128xf32, #tpu.memory_space<hbm>>) dst(%arg11 : memref<128x128xf32, #tpu.memory_space<vmem>>)
    "tpu.region"() ({
      %run_scoped3A = tpu.sem_alloc : memref<!tpu.dma_semaphore, #tpu.memory_space<semaphore_mem>>
      %dma_start3A_13 = arith.constant 0 : i32
      %dma_start3A_14 = tpu.memref_slice %arg6[%mul3A_2, %dma_start3A_13] : memref<4096x128xf32, #tpu.memory_space<hbm>> -> memref<128x128xf32, #tpu.memory_space<hbm>>
      %dma_start3A_15 = arith.constant 0 : i32
      %dma_start3A_16 = tpu.memref_slice %arg6[%mul3A_2, %dma_start3A_15] : memref<4096x128xf32, #tpu.memory_space<hbm>> -> memref<128x128xf32, #tpu.memory_space<hbm>>
      tpu.enqueue_dma source(%arg10 : memref<128x128xf32, #tpu.memory_space<vmem>>) target(%dma_start3A_16 : memref<128x128xf32, #tpu.memory_space<hbm>>) target_semaphore(%run_scoped3A : memref<!tpu.dma_semaphore, #tpu.memory_space<semaphore_mem>>)
      %dma_wait3A_17 = arith.constant 0 : i32
      %dma_wait3A_18 = tpu.memref_slice %arg6[%mul3A_2, %dma_wait3A_17] : memref<4096x128xf32, #tpu.memory_space<hbm>> -> memref<128x128xf32, #tpu.memory_space<hbm>>
      %dma_wait3A_19 = arith.constant 0 : i32
      %dma_wait3A_20 = tpu.memref_slice %arg6[%mul3A_2, %dma_wait3A_19] : memref<4096x128xf32, #tpu.memory_space<hbm>> -> memref<128x128xf32, #tpu.memory_space<hbm>>
      tpu.wait_dma2 semaphore(%run_scoped3A : memref<!tpu.dma_semaphore, #tpu.memory_space<semaphore_mem>>) src(%arg10 : memref<128x128xf32, #tpu.memory_space<vmem>>) dst(%dma_wait3A_20 : memref<128x128xf32, #tpu.memory_space<hbm>>)
      tpu.yield
    }) : () -> ()
    "tpu.region"() ({
      %run_scoped3A = tpu.sem_alloc : memref<!tpu.dma_semaphore, #tpu.memory_space<semaphore_mem>>
      %dma_start3A_13 = arith.constant 0 : i32
      %dma_start3A_14 = tpu.memref_slice %arg7[%mul3A_2, %dma_start3A_13] : memref<4096x128xf32, #tpu.memory_space<hbm>> -> memref<128x128xf32, #tpu.memory_space<hbm>>
      %dma_start3A_15 = arith.constant 0 : i32
      %dma_start3A_16 = tpu.memref_slice %arg7[%mul3A_2, %dma_start3A_15] : memref<4096x128xf32, #tpu.memory_space<hbm>> -> memref<128x128xf32, #tpu.memory_space<hbm>>
      tpu.enqueue_dma source(%arg11 : memref<128x128xf32, #tpu.memory_space<vmem>>) target(%dma_start3A_16 : memref<128x128xf32, #tpu.memory_space<hbm>>) target_semaphore(%run_scoped3A : memref<!tpu.dma_semaphore, #tpu.memory_space<semaphore_mem>>)
      %dma_wait3A_17 = arith.constant 0 : i32
      %dma_wait3A_18 = tpu.memref_slice %arg7[%mul3A_2, %dma_wait3A_17] : memref<4096x128xf32, #tpu.memory_space<hbm>> -> memref<128x128xf32, #tpu.memory_space<hbm>>
      %dma_wait3A_19 = arith.constant 0 : i32
      %dma_wait3A_20 = tpu.memref_slice %arg7[%mul3A_2, %dma_wait3A_19] : memref<4096x128xf32, #tpu.memory_space<hbm>> -> memref<128x128xf32, #tpu.memory_space<hbm>>
      tpu.wait_dma2 semaphore(%run_scoped3A : memref<!tpu.dma_semaphore, #tpu.memory_space<semaphore_mem>>) src(%arg11 : memref<128x128xf32, #tpu.memory_space<vmem>>) dst(%dma_wait3A_20 : memref<128x128xf32, #tpu.memory_space<hbm>>)
      tpu.yield
    }) : () -> ()
    return
  }
}

module attributes {stable_mosaic.version = 14 : i64} {
  func.func @_tc_score_body(%arg0: memref<1x2xf32, #tpu.memory_space<smem>>, %arg1: memref<4096x128xf32, #tpu.memory_space<vmem>>, %arg2: memref<4096x128xf32, #tpu.memory_space<vmem>>, %arg3: memref<4096x1xi32, #tpu.memory_space<vmem>>, %arg4: memref<4096x1xi32, #tpu.memory_space<vmem>>, %arg5: memref<2x64x16xf32, #tpu.memory_space<vmem>>, %arg6: memref<2x64x16xf32, #tpu.memory_space<vmem>>, %arg7: memref<4096x1xf32, #tpu.memory_space<vmem>>) attributes {dimension_semantics = [], scalar_prefetch = 0 : i64, scratch_operands = 0 : i64, tpu.core_type = #tpu.core_type<tc>} {
    %get3A = arith.constant 0 : index
    %get3A_0 = arith.constant 0 : index
    %get3A_1 = arith.constant 0 : index
    %get3A_2 = vector.load %arg5[%get3A, %get3A_0, %get3A_1] : memref<2x64x16xf32, #tpu.memory_space<vmem>>, vector<1x64x16xf32>
    %get3A_3 = vector.shape_cast %get3A_2 : vector<1x64x16xf32> to vector<64x16xf32>
    %get3A_4 = arith.constant 0 : index
    %get3A_5 = arith.constant 0 : index
    %get3A_6 = arith.constant 0 : index
    %get3A_7 = vector.load %arg6[%get3A_4, %get3A_5, %get3A_6] : memref<2x64x16xf32, #tpu.memory_space<vmem>>, vector<1x64x16xf32>
    %get3A_8 = vector.shape_cast %get3A_7 : vector<1x64x16xf32> to vector<64x16xf32>
    %get3A_9 = arith.constant 0 : index
    %get3A_10 = arith.constant 0 : index
    %get3A_11 = memref.load %arg0[%get3A_9, %get3A_10] : memref<1x2xf32, #tpu.memory_space<smem>>
    %dot_general3A = arith.constant dense<0.000000e+00> : vector<64x64xf32>
    %dot_general3A_12 = tpu.matmul %get3A_3, %get3A_8, %dot_general3A {dimension_numbers = #tpu.dot_dimension_numbers<[1], [1], [0], [0], [0, 0, 1, 0], [], []>, transpose_lhs_hint = false} : vector<64x16xf32>, vector<64x16xf32>, vector<64x64xf32> -> vector<64x64xf32>
    %mul3A = vector.broadcast %get3A_11 : f32 to vector<64x64xf32>
    %mul3A_13 = arith.mulf %mul3A, %dot_general3A_12 : vector<64x64xf32>
    %get3A_14 = arith.constant 1 : index
    %get3A_15 = arith.constant 0 : index
    %get3A_16 = arith.constant 0 : index
    %get3A_17 = vector.load %arg5[%get3A_14, %get3A_15, %get3A_16] : memref<2x64x16xf32, #tpu.memory_space<vmem>>, vector<1x64x16xf32>
    %get3A_18 = vector.shape_cast %get3A_17 : vector<1x64x16xf32> to vector<64x16xf32>
    %get3A_19 = arith.constant 1 : index
    %get3A_20 = arith.constant 0 : index
    %get3A_21 = arith.constant 0 : index
    %get3A_22 = vector.load %arg6[%get3A_19, %get3A_20, %get3A_21] : memref<2x64x16xf32, #tpu.memory_space<vmem>>, vector<1x64x16xf32>
    %get3A_23 = vector.shape_cast %get3A_22 : vector<1x64x16xf32> to vector<64x16xf32>
    %get3A_24 = arith.constant 0 : index
    %get3A_25 = arith.constant 1 : index
    %get3A_26 = memref.load %arg0[%get3A_24, %get3A_25] : memref<1x2xf32, #tpu.memory_space<smem>>
    %dot_general3A_27 = arith.constant dense<0.000000e+00> : vector<64x64xf32>
    %dot_general3A_28 = tpu.matmul %get3A_18, %get3A_23, %dot_general3A_27 {dimension_numbers = #tpu.dot_dimension_numbers<[1], [1], [0], [0], [0, 0, 1, 0], [], []>, transpose_lhs_hint = false} : vector<64x16xf32>, vector<64x16xf32>, vector<64x64xf32> -> vector<64x64xf32>
    %mul3A_29 = vector.broadcast %get3A_26 : f32 to vector<64x64xf32>
    %mul3A_30 = arith.mulf %mul3A_29, %dot_general3A_28 : vector<64x64xf32>
    %add3A = arith.addf %mul3A_13, %mul3A_30 : vector<64x64xf32>
    %get3A_31 = arith.constant 0 : index
    %get3A_32 = arith.constant 0 : index
    %get3A_33 = vector.load %arg1[%get3A_31, %get3A_32] : memref<4096x128xf32, #tpu.memory_space<vmem>>, vector<4096x128xf32>
    %get3A_34 = arith.constant 0 : index
    %get3A_35 = arith.constant 0 : index
    %get3A_36 = vector.load %arg2[%get3A_34, %get3A_35] : memref<4096x128xf32, #tpu.memory_space<vmem>>, vector<4096x128xf32>
    %get3A_37 = arith.constant 0 : index
    %get3A_38 = arith.constant 0 : index
    %get3A_39 = vector.load %arg3[%get3A_37, %get3A_38] : memref<4096x1xi32, #tpu.memory_space<vmem>>, vector<4096x1xi32>
    %eq3A = arith.constant 1 : i32
    %eq3A_40 = vector.broadcast %eq3A : i32 to vector<4096x1xi32>
    %eq3A_41 = arith.cmpi eq, %get3A_39, %eq3A_40 : vector<4096x1xi32>
    %slice3A = vector.extract_strided_slice %get3A_33 {offsets = [0, 64], sizes = [4096, 64], strides = [1, 1]} : vector<4096x128xf32> to vector<4096x64xf32>
    %slice3A_42 = vector.extract_strided_slice %get3A_33 {offsets = [0, 0], sizes = [4096, 64], strides = [1, 1]} : vector<4096x128xf32> to vector<4096x64xf32>
    %broadcast_in_dim3A = vector.shape_cast %eq3A_41 : vector<4096x1xi1> to vector<4096x1xi1>
    %broadcast_in_dim3A_43 = vector.broadcast %broadcast_in_dim3A : vector<4096x1xi1> to vector<4096x64xi1>
    %select_n3A = arith.select %broadcast_in_dim3A_43, %slice3A, %slice3A_42 : vector<4096x64xi1>, vector<4096x64xf32>
    %get3A_44 = arith.constant 0 : index
    %get3A_45 = arith.constant 0 : index
    %get3A_46 = vector.load %arg4[%get3A_44, %get3A_45] : memref<4096x1xi32, #tpu.memory_space<vmem>>, vector<4096x1xi32>
    %eq3A_47 = arith.constant 1 : i32
    %eq3A_48 = vector.broadcast %eq3A_47 : i32 to vector<4096x1xi32>
    %eq3A_49 = arith.cmpi eq, %get3A_46, %eq3A_48 : vector<4096x1xi32>
    %slice3A_50 = vector.extract_strided_slice %get3A_36 {offsets = [0, 64], sizes = [4096, 64], strides = [1, 1]} : vector<4096x128xf32> to vector<4096x64xf32>
    %slice3A_51 = vector.extract_strided_slice %get3A_36 {offsets = [0, 0], sizes = [4096, 64], strides = [1, 1]} : vector<4096x128xf32> to vector<4096x64xf32>
    %broadcast_in_dim3A_52 = vector.shape_cast %eq3A_49 : vector<4096x1xi1> to vector<4096x1xi1>
    %broadcast_in_dim3A_53 = vector.broadcast %broadcast_in_dim3A_52 : vector<4096x1xi1> to vector<4096x64xi1>
    %select_n3A_54 = arith.select %broadcast_in_dim3A_53, %slice3A_50, %slice3A_51 : vector<4096x64xi1>, vector<4096x64xf32>
    %dot_general3A_55 = arith.constant dense<0.000000e+00> : vector<4096x64xf32>
    %dot_general3A_56 = tpu.matmul %select_n3A_54, %add3A, %dot_general3A_55 {dimension_numbers = #tpu.dot_dimension_numbers<[1], [0], [0], [1], [0, 0, 1, 1], [], []>, transpose_lhs_hint = false} : vector<4096x64xf32>, vector<64x64xf32>, vector<4096x64xf32> -> vector<4096x64xf32>
    %mul3A_57 = arith.constant 1.000000e-03 : f32
    %mul3A_58 = vector.broadcast %mul3A_57 : f32 to vector<4096x64xf32>
    %mul3A_59 = arith.mulf %mul3A_58, %dot_general3A_56 : vector<4096x64xf32>
    %add3A_60 = arith.addf %select_n3A_54, %mul3A_59 : vector<4096x64xf32>
    %mul3A_61 = arith.mulf %select_n3A, %add3A_60 : vector<4096x64xf32>
    %reduce_sum3A = arith.constant dense<0.000000e+00> : vector<4096xf32>
    %reduce_sum3A_62 = vector.multi_reduction <add>, %mul3A_61, %reduce_sum3A [1] : vector<4096x64xf32> to vector<4096xf32>
    %broadcast_in_dim3A_63 = vector.shape_cast %reduce_sum3A_62 : vector<4096xf32> to vector<4096x1xf32>
    %swap3A = arith.constant 0 : index
    %swap3A_64 = arith.constant 0 : index
    %swap3A_65 = vector.load %arg7[%swap3A, %swap3A_64] : memref<4096x1xf32, #tpu.memory_space<vmem>>, vector<4096x1xf32>
    tpu.vector_store %arg7[%swap3A, %swap3A_64], %broadcast_in_dim3A_63 {strides = array<i32>} : memref<4096x1xf32, #tpu.memory_space<vmem>>, vector<4096x1xf32>,
    return
  }
}

module attributes {stable_mosaic.version = 14 : i64} {
  func.func @_tc_pack_body(%arg0: i32, %arg1: memref<64x2048xf32, #tpu.memory_space<vmem>>, %arg2: memref<1024x128xf32, #tpu.memory_space<vmem>>) attributes {dimension_semantics = [#tpu.dimension_semantics<arbitrary>], iteration_bounds = array<i64: 49>, scalar_prefetch = 0 : i64, scratch_operands = 0 : i64, tpu.core_type = #tpu.core_type<tc>, window_params = [{transform_indices = @transform_0, window_bounds = array<i64: 64, 2048>}, {transform_indices = @transform_1, window_bounds = array<i64: 1024, 128>}]} {
    %get3A = arith.constant 0 : index
    %get3A_0 = arith.constant 0 : index
    %get3A_1 = vector.load %arg1[%get3A, %get3A_0] : memref<64x2048xf32, #tpu.memory_space<vmem>>, vector<64x2048xf32>
    %iota3A = tpu.iota {dimensions = array<i32: 0>} : vector<64x64xi32>
    %iota3A_2 = tpu.iota {dimensions = array<i32: 1>} : vector<64x64xi32>
    %eq3A = arith.cmpi eq, %iota3A, %iota3A_2 : vector<64x64xi32>
    %convert_element_type3A = arith.extui %eq3A : vector<64x64xi1> to vector<64x64xi32>
    %convert_element_type3A_3 = arith.sitofp %convert_element_type3A : vector<64x64xi32> to vector<64x64xf32>
    %dot_general3A = arith.constant dense<0.000000e+00> : vector<2048x64xf32>
    %dot_general3A_4 = tpu.matmul %get3A_1, %convert_element_type3A_3, %dot_general3A {dimension_numbers = #tpu.dot_dimension_numbers<[0], [0], [1], [1], [0, 1, 1, 1], [], []>, transpose_lhs_hint = false} : vector<64x2048xf32>, vector<64x64xf32>, vector<2048x64xf32> -> vector<2048x64xf32>
    %slice3A = vector.extract_strided_slice %dot_general3A_4 {offsets = [0, 0], sizes = [1024, 64], strides = [1, 1]} : vector<2048x64xf32> to vector<1024x64xf32>
    %slice3A_5 = vector.extract_strided_slice %dot_general3A_4 {offsets = [1024, 0], sizes = [1024, 64], strides = [1, 1]} : vector<2048x64xf32> to vector<1024x64xf32>
    %concatenate3A = tpu.concatenate %slice3A, %slice3A_5 in 1 : vector<1024x64xf32>, vector<1024x64xf32> -> vector<1024x128xf32>
    %swap3A = arith.constant 0 : index
    %swap3A_6 = arith.constant 0 : index
    %swap3A_7 = vector.load %arg2[%swap3A, %swap3A_6] : memref<1024x128xf32, #tpu.memory_space<vmem>>, vector<1024x128xf32>
    tpu.vector_store %arg2[%swap3A, %swap3A_6], %concatenate3A {strides = array<i32>} : memref<1024x128xf32, #tpu.memory_space<vmem>>, vector<1024x128xf32>,
    return
  }
  func.func @transform_0(%arg0: i32) -> (i32, i32) {
    %c0_i32 = arith.constant 0 : i32
    %c0_i32_0 = arith.constant 0 : i32
    return %c0_i32, %arg0 : i32, i32
  }
  func.func @transform_1(%arg0: i32) -> (i32, i32) {
    %c0_i32 = arith.constant 0 : i32
    %c0_i32_0 = arith.constant 0 : i32
    return %arg0, %c0_i32 : i32, i32
  }
}

</mosaic_0001>

<sc_bundles>
// kernel: kernel.6.cloned.1.call-start
scs
__scs_entry_jumppad:
0x0: {  	(pc) =	sbr.rel $0x88, $3  }
0x1: {  	(tag) =	ssettag $0x0;
	lr =	simm.s32 $0x1  }
0x2: {  	[smem:$0x3F9A] =	sst lr;
	_ =	strace $0xD0000000  }
0x3: {  	_ = 	snop  }
0x4: {  	_ = 	snop  }
0x5: {  	_ = 	snop  }
0x6: {  	_ = 	snop  }
0x7: {  	_ = 	snop  }
__scs_overlays_trampoline_lowered:
0x8: {  	[smem:$0x3FA9] =	sst s0  }
0x9: {  	[smem:$0x3FAA] =	sst s1  }
0xa: {  	[smem:$0x3FAB] =	sst s2  }
0xb: {  	[smem:$0x3FAC] =	sst s3  }
0xc: {  	[smem:$0x3FAD] =	sst s4  }
0xd: {  	[smem:$0x3FAE] =	sst s5  }
0xe: {  	[smem:$0x3FAF] =	sst s6  }
0xf: {  	[smem:$0x3FB0] =	sst s7  }
0x10: {  	[smem:$0x3FB1] =	sst s8  }
0x11: {  	[smem:$0x3FB2] =	sst s9;
	s0 =	simm.s32 @!p0 $0x0  }
0x12: {  	s1 =	sld [smem:$0x3F98];
	s0 =	simm.s32 @p0 $0x1  }
0x13: {  	[smem:$0x3FB3] =	sst s0;
	s0 =	simm.s32 @!p1 $0x0  }
0x14: {  	s2 =	sld [smem:$0x3F97];
	s0 =	simm.s32 @p1 $0x1  }
0x15: {  	[smem:$0x3FB4] =	sst s0;
	s0 =	simm.s32 @!p2 $0x0  }
0x16: {  	s3 =	sld [smem:$0x3FDB];
	s0 =	simm.s32 @p2 $0x1  }
0x17: {  	s4 =	simm.s32 $0x1BF5;
	[smem:$0x3FB6] =	sst s0  }
0x18: {  	s0 =	sld [smem:$0x3F99];
	_ =	swait.ge [sflag:s4], $0x0  }
0x19: {  	s7 =	sld [smem:$0x3F9A]  }
0x1a: {  	s8 =	sadd.s32 $0xFFFFE003, lr  }
0x1b: {  	s9 =	sadd.s32 $0xFFFFFEF7, lr;
	s5 =	simm.s32 $0xFFFFFFFF;
	p2 =	slt.u32 s8, $0xFFFFF086  }
0x1c: {  	p1 =	slt.u32 s9, $0xF7A;
	s5 =	simm.s32 @!p2 $0x0  }
0x1d: {  	s5 =	simm.s32 @p1 $0x1;
	p0 =	seq.s32 s7, s2  }
0x1e: {  	s7 =	smul.u32 @!p0 $0xF7A, s2;
	p2 =	seq.s32 @!p0 s5, $0x0  }
0x1f: {  	s9 =	smul.u32 $0xF7A, s1;
	s8 =	simm.s32 @!p0 $0x1BF5;
	p2 =	por !p2, p0  }
0x20: {  	[sflag:s8] =	ssyncset.s32 @!p0 $0xFFFFF086;
	s6 =	sadd.s32 @!p0 s3, s7;
	s7 =	simm.s32 @!p0 $0x108  }
0x21: {  	s3 =	sadd.s32 s3, s9;
	s6 =	sadd.s32 @!p0 $0x88, s6;
	s7 =	simm.s32 @p2 $0x1082  }
0x22: {  	[simem:s7], [sflag:s8] =	dma.local @!p0 [hbm:s6], $0xF7A  }
0x23: {  	s9 =	sor.u32 $0xD0000000, s2;
	s6 =	simm.s32 $0x108;
	_ =	swait.ge @!p0 [sflag:s8], $0x0  }
0x24: {  	s3 =	sadd.s32 $0x88, s3;
	s6 =	simm.s32 @!p1 $0x1082;
	[sflag:s4] =	ssyncset.s32 $0xFFFFF086  }
0x25: {  	[simem:s6], [sflag:s4] =	dma.local [hbm:s3], $0xF7A  }
0x26: {  	[smem:$0x3F9A] =	sst s1;
	(tag) =	ssettag s2;
	_ =	strace s9  }
0x27: {  	s1 =	sld [smem:$0x3FAA]  }
0x28: {  	s2 =	sld [smem:$0x3FAB]  }
0x29: {  	s4 =	sld [smem:$0x3FAD]  }
0x2a: {  	p0 =	seq.s32 s5, $0x0;
	s5 =	sld [smem:$0x3FAE]  }
0x2b: {  	s6 =	sld [smem:$0x3FAF]  }
0x2c: {  	s7 =	sld [smem:$0x3FB0]  }
0x2d: {  	s3 =	simm.s32 $0x108;
	s8 =	sld [smem:$0x3FB1]  }
0x2e: {  	s3 =	simm.s32 @!p0 $0x1082;
	s9 =	sld [smem:$0x3FB2]  }
0x2f: {  	lr =	sadd.s32 s0, s3;
	s0 =	sld [smem:$0x3FA9]  }
0x30: {  	s3 =	sld [smem:$0x3FAC]  }
0x31: {  	[smem:$0x3FB5] =	sst s10  }
0x32: {  	s10 =	sld [smem:$0x3FB3];
	_ =	sdelay $0x3  }
0x33: {  	p0 =	seq.s32 s10, $0x1;
	s10 =	sld [smem:$0x3FB5];
	_ =	sdelay $0x3  }
0x34: {  	[smem:$0x3FB5] =	sst s10  }
0x35: {  	s10 =	sld [smem:$0x3FB4];
	_ =	sdelay $0x3  }
0x36: {  	p1 =	seq.s32 s10, $0x1;
	s10 =	sld [smem:$0x3FB5];
	_ =	sdelay $0x3  }
0x37: {  	[smem:$0x3FB5] =	sst s10  }
0x38: {  	s10 =	sld [smem:$0x3FB6]  }
0x39: {  	_ = 	snop;
	(pc) =	sbr.ind lr, $3  }
0x3a: {  	_ = 	snop  }
0x3b: {  	_ = 	snop  }
0x3c: {  	p2 =	seq.s32 s10, $0x1;
	s10 =	sld [smem:$0x3FB5]  }
0x3d: {  	_ =	shalt  }
0x3e: {  	_ =	shalt  }
0x3f: {  	_ =	shalt  }
0x40: {  	_ =	shalt  }
0x41: {  	_ =	shalt  }
0x42: {  	_ =	shalt  }
0x43: {  	_ =	shalt  }
0x44: {  	_ =	shalt  }
0x45: {  	_ =	shalt  }
0x46: {  	_ =	shalt  }
0x47: {  	_ =	shalt  }
0x48: {  	_ =	shalt  }
0x49: {  	_ =	shalt  }
0x4a: {  	_ =	shalt  }
0x4b: {  	_ =	shalt  }
0x4c: {  	_ =	shalt  }
0x4d: {  	_ =	shalt  }
0x4e: {  	_ =	shalt  }
0x4f: {  	_ =	shalt  }
0x50: {  	_ =	shalt  }
0x51: {  	_ =	shalt  }
0x52: {  	_ =	shalt  }
0x53: {  	_ =	shalt  }
0x54: {  	_ =	shalt  }
0x55: {  	_ =	shalt  }
0x56: {  	_ =	shalt  }
0x57: {  	_ =	shalt  }
0x58: {  	_ =	shalt  }
0x59: {  	_ =	shalt  }
0x5a: {  	_ =	shalt  }
0x5b: {  	_ =	shalt  }
0x5c: {  	_ =	shalt  }
0x5d: {  	_ =	shalt  }
0x5e: {  	_ =	shalt  }
0x5f: {  	_ =	shalt  }
0x60: {  	_ =	shalt  }
0x61: {  	_ =	shalt  }
0x62: {  	_ =	shalt  }
0x63: {  	_ =	shalt  }
0x64: {  	_ =	shalt  }
0x65: {  	_ =	shalt  }
0x66: {  	_ =	shalt  }
0x67: {  	_ =	shalt  }
0x68: {  	_ =	shalt  }
0x69: {  	_ =	shalt  }
0x6a: {  	_ =	shalt  }
0x6b: {  	_ =	shalt  }
0x6c: {  	_ =	shalt  }
0x6d: {  	_ =	shalt  }
0x6e: {  	_ =	shalt  }
0x6f: {  	_ =	shalt  }
0x70: {  	_ =	shalt  }
0x71: {  	_ =	shalt  }
0x72: {  	_ =	shalt  }
0x73: {  	_ =	shalt  }
0x74: {  	_ =	shalt  }
0x75: {  	_ =	shalt  }
0x76: {  	_ =	shalt  }
0x77: {  	_ =	shalt  }
0x78: {  	_ =	shalt  }
0x79: {  	_ =	shalt  }
0x7a: {  	_ =	shalt  }
0x7b: {  	_ =	shalt  }
0x7c: {  	_ =	shalt  }
0x7d: {  	_ =	shalt  }
0x7e: {  	_ =	shalt  }
0x7f: {  	_ =	shalt  }
0x80: {  	_ =	shalt  }
0x81: {  	_ =	shalt  }
0x82: {  	_ =	shalt  }
0x83: {  	_ =	shalt  }
0x84: {  	_ =	shalt  }
0x85: {  	_ =	shalt  }
0x86: {  	_ =	shalt  }
0x87: {  	_ =	shalt  }
.Lfunc_end0:
.L_simem_size_0:
called_computation_lowered:
.L_overlay_start_0:
0x88: {  	s2 =	sld [smem:$0x3FD9]  }
0x89: {  	s3 =	sld [smem:$0x3FFE];
	_ =	sdelay $0x1  }
0x8a: {  	s1 =	srdreg.scid  }
0x8b: {  	s0 =	sand.u32 $0x1, s1  }
0x8c: {  	s17 =	sshll.u32 s0, $0xA;
	s2 =	sadd.s32 s3, s2  }
0x8d: {  	s2 =	sadd.s32 s2, s17  }
0x8e: {  	[smem:$0x3FC1] =	sst s2  }
0x8f: {  	_ = 	snop  }
0x90: {  	s2 =	sld [smem:$0x3FD0];
	(tm) =	ssettm $0x1  }
0x91: {  	s18 =	sld [smem:$0x3FFB];
	_ =	sdelay $0x3  }
0x92: {  	_ =	strace s18  }
0x93: {  	s3 =	sld [smem:$0x3FFC];
	_ =	sdelay $0x3  }
0x94: {  	_ =	strace s3  }
0x95: {  	s3 =	sld [smem:$0x3FFD];
	_ =	sdelay $0x3  }
0x96: {  	_ =	strace s3  }
0x97: {  	_ =	strace $0x8FFFFFFF  }
0x98: {  	s19 =	sld [smem:$0x3FDB];
	_ =	sdelay $0x1  }
0x99: {  	s4 =	simm.s32 $_scs_section_size  }
0x9a: {  	s5 =	simm.s32 $_size__tile_overlayer_lowered;
	s6 =	simm.s32 $_tile_overlayer_lowered  }
0x9b: {  	s22 =	simm.s32 $0x1BFF;
	s21 =	sshll.u32 s6, $0x1;
	s3 =	sadd.s32 s4, s19  }
0x9c: {  	s7 =	simm.s32 $0x0;
	s20 =	sshll.u32 s5, $0x1;
	s5 =	sadd.s32 s21, s3  }
0x9d: {  	[timem:s7], [sflag:s22] =	dma.local [hbm:s5], s20  }
0x9e: {  	_ =	swait.ge [sflag:s22], s20  }
0x9f: {  	s4 =	ssub.s32 $0x0, s20;
	[sflag:s22] =	ssyncset.done $0x0  }
0xa0: {  	[sflag:s22] =	ssyncadd.s32 s4;
	_ =	sdelay $0x1  }
0xa1: {  	s23 =	simm.s32 $0x1B8B  }
0xa2: {  	_ =	swait.ge [sflag:s23], $0x1  }
0xa3: {  	[sflag:s23] =	ssyncset.done $0x0  }
0xa4: {  	s25 =	simm.s32 $0x1B8E;
	s24 =	sld [smem:$0x3FFE];
	[sflag:s23] =	ssyncadd.s32 $0xFFFFFFFF  }
0xa5: {  	s26 =	simm.s32 $execute0_lowered;
	[smem:$0x3FD2] =	sst s25  }
0xa6: {  	s5 =	sshll.u32 s26, $0x1;
	_ =	strace $0x80000046;
	[dreg:$0x1] =	wrdreg $0xFFFFFFFF  }
0xa7: {  	s28 =	simm.s32 $_size_execute0_lowered;
	s3 =	sadd.s32 s3, s5;
	[dreg:$0x0] =	wrdreg $0x0  }
0xa8: {  	s5 =	sshll.u32 s28, $0x1;
	[dreg:$0x2] =	wrdreg s3  }
0xa9: {  	[dreg:$0x3] =	wrdreg s5  }
0xaa: {  	[dreg:$0x4] =	wrdreg $0xC0  }
0xab: {  	_ =	task [dreg:s7], $0x5FFFF  }
0xac: {  	[dreg:$0x1] =	wrdreg $0xFFFFFFFF  }
0xad: {  	[dreg:$0x0] =	wrdreg $0x60  }
0xae: {  	[dreg:$0x2] =	wrdreg s24  }
0xaf: {  	[dreg:$0x3] =	wrdreg s2  }
0xb0: {  	[dreg:$0x4] =	wrdreg $0x9  }
0xb1: {  	_ =	task.clear_ibuf [dreg:s7], $0x5FFFF;
	_ =	strace $0x90000046  }
0xb2: {  	s29 =	simm.s32 $0x9;
	_ =	strace $0x80000048  }
0xb3: {  	_ =	swait.ge [sflag:s29], $0x1  }
0xb4: {  	[sflag:s29] =	ssyncadd.s32 $0xFFFFFFFF  }
0xb5: {  	_ =	strace $0x90000048  }
0xb6: {  	_ =	sfence  }
0xb7: {  	s30 =	sld [smem:$0x0];
	_ =	sdelay $0x2  }
0xb8: {  	s31 =	sshll.u32 s1, $0xD;
	s1 =	sshrl.u32 s1, $0x2  }
0xb9: {  	s3 =	sand.u32 $0x4000, s31;
	s1 =	sadd.s32 s1, s30  }
0xba: {  	s0 =	sor.u32 s3, s0;
	s1 =	sshll.u32 s1, $0x11  }
0xbb: {  	s0 =	sor.u32 s1, s0  }
0xbc: {  	s0 =	sadd.s32 $0x8F2B, s0  }
0xbd: {  	[sflag:s0] =	ssyncadd.remote.s32 $0x1  }
0xbe: {  	_ =	sfence.sel $0xFFFF  }
0xbf: {  	[dreg:$0x0] =	wrdreg $0xFFFFFFFF;
	(pc) =	sbr.abs _section_cstart, $3  }
0xc0: {  	[dreg:$0x1] =	wrdreg $0xFFFFFFFF  }
0xc1: {  	_ =	task.clear_ibuf [dreg:s7], $0x2FFFF;
	_ =	strace $0x9FFFFFFF  }
0xc2: {  	(tm) =	ssettm $0x7FFFFFFF  }
0xc3: {  	_ =	shalt  }
tec
execute0_lowered:
.L_overlay_start_1:
0x0: {  	(tag) =	ssettag $0x1  }
0x1: {  	s1 =	srdreg.scid  }
0x2: {  	s0 =	stileid.u32;
	s13 =	sand.u32 $0x1, s1  }
0x3: {  	s14 =	rddreg [dreg:$0x0];
	s30 =	sshll.u32 s0, $0x8;
	s2 =	sshll.u32 s13, $0x7  }
0x4: {  	s5 =	rddreg [dreg:$0x1];
	s15 =	sor.u32 s2, s30  }
0x5: {  	s1 =	rddreg [dreg:$0x2];
	s2 =	simm.s32 $0x0;
	s6 =	sshrl.u32 s15, $0x3  }
0x6: {  	[smem:$0x7FF] =	sst s2;
	s3 =	sadd.s32 s6, s14  }
0x7: {  	_ =	strace $0x80000047;
	s4 =	sadd.s32 $0x189400, s3;
	s3 =	simm.s32 $0x3  }
0x8: {  	[tilespmem:s2], [sflag:$0x3] =	stream.linear.gather [hbm4b:s4+s2], $0x80, $0x38;
	[tilespmem:$0x8100] =	vst v63  }
0x9: {  	_ =	swait.ge [sflag:s3], $0x80  }
0xa: {  	[sflag:s3] =	ssyncset.done $0x0  }
0xb: {  	s5 =	sadd.s32 s5, s6;
	s6 =	simm.s32 $0x80;
	[sflag:s3] =	ssyncadd.s32 $0xFFFFFF80  }
0xc: {  	[tilespmem:s6], [sflag:$0x3] =	stream.linear.gather [hbm4b:s5+s2], $0x80, $0x38;
	[tilespmem:$0x8100] =	vst v63  }
0xd: {  	_ =	swait.ge [sflag:s3], $0x80  }
0xe: {  	[sflag:s3] =	ssyncset.done $0x0  }
0xf: {  	s8 =	simm.s32 $0x100;
	s7 =	sadd.s32 $0x1400, s14;
	[sflag:s3] =	ssyncadd.s32 $0xFFFFFF80  }
0x10: {  	[tilespmem:s8], [sflag:$0x1] =	stream.indirect.gather [hbm4b:s7+s6], $0x80, s2, s6, $0xb8;
	[tilespmem:$0x8100] =	vst v63  }
0x11: {  	s10 =	simm.s32 $0x4100;
	s11 =	simm.s32 $0x1;
	s9 =	sadd.s32 $0xC5400, s14  }
0x12: {  	[tilespmem:s10], [sflag:$0x2] =	stream.indirect.gather [hbm4b:s9+s6], $0x80, s6, s6, $0xb8;
	[tilespmem:$0x8100] =	vst v63  }
0x13: {  	_ =	swait.ge [sflag:s11], $0x4000  }
0x14: {  	[sflag:s11] =	ssyncset.done $0x0  }
0x15: {  	s12 =	simm.s32 $0x2;
	s31 =	ssub.s32 $0x2, s13;
	[sflag:s11] =	ssyncadd.s32 $0xFFFFC000  }
0x16: {  	s16 =	sshrl.u32 s31, $0x1;
	s15 =	sshll.u32 s15, $0x4;
	_ =	swait.ge [sflag:s12], $0x4000  }
0x17: {  	s14 =	sadd.s32 s15, s14;
	s15 =	ssub.s32 s31, s16;
	[sflag:s12] =	ssyncset.done $0x0  }
0x18: {  	s13 =	sadd.s32 $0x189600, s14;
	s15 =	smax.u32 s15, $0x1;
	[sflag:s12] =	ssyncadd.s32 $0xFFFFC000  }
0x19: {  	[hbm4b:s13+s2] =	stream.linear.scatter [tilespmem:s8], [sflag:$0x3], $0x4000, $0x38;
	[tilespmem:$0x8100] =	vst v63  }
0x1a: {  	p0 =	sne.s32 s15, $0x1;
	_ =	swait.ge [sflag:s3], $0x4000  }
.Ltmp0:
0x1b: {  	[sflag:s3] =	ssyncset.done $0x0;
	(pc) =	sbr.rel @!p0 .LBB2_2-.Ltmp0, $4  }
0x1c: {  	s14 =	sadd.s32 $0x199600, s14;
	[sflag:s3] =	ssyncadd.s32 $0xFFFFC000  }
0x1d: {  	[hbm4b:s14+s2] =	stream.linear.scatter [tilespmem:s10], [sflag:$0x3], $0x4000, $0x38;
	[tilespmem:$0x8100] =	vst v63  }
0x1e: {  	_ =	swait.ge [sflag:s3], $0x4000  }
0x1f: {  	s15 =	sadd.s32 $0xFFFFFFFF, s15;
	[sflag:s3] =	ssyncset.done $0x0  }
.LBB2_1:
0x20: {  	p0 =	sne.s32 s15, $0x1;
	s15 =	sadd.s32 $0xFFFFFFFF, s15;
	[sflag:s3] =	ssyncadd.s32 $0xFFFFC000  }
0x21: {  	[tilespmem:s2], [sflag:$0x3] =	stream.linear.gather [hbm4b:s4+s2], $0x80, $0x38;
	[tilespmem:$0x8100] =	vst v63  }
0x22: {  	_ =	swait.ge [sflag:s3], $0x80  }
0x23: {  	[sflag:s3] =	ssyncset.done $0x0  }
0x24: {  	[sflag:s3] =	ssyncadd.s32 $0xFFFFFF80  }
0x25: {  	[tilespmem:s6], [sflag:$0x3] =	stream.linear.gather [hbm4b:s5+s2], $0x80, $0x38;
	[tilespmem:$0x8100] =	vst v63  }
0x26: {  	_ =	swait.ge [sflag:s3], $0x80  }
0x27: {  	[sflag:s3] =	ssyncset.done $0x0  }
0x28: {  	[sflag:s3] =	ssyncadd.s32 $0xFFFFFF80  }
0x29: {  	[tilespmem:s8], [sflag:$0x1] =	stream.indirect.gather [hbm4b:s7+s6], $0x80, s2, s6, $0xb8;
	[tilespmem:$0x8100] =	vst v63  }
0x2a: {  	_ = 	snop  }
0x2b: {  	[tilespmem:s10], [sflag:$0x2] =	stream.indirect.gather [hbm4b:s9+s6], $0x80, s6, s6, $0xb8;
	[tilespmem:$0x8100] =	vst v63  }
0x2c: {  	_ =	swait.ge [sflag:s11], $0x4000  }
0x2d: {  	[sflag:s11] =	ssyncset.done $0x0  }
0x2e: {  	[sflag:s11] =	ssyncadd.s32 $0xFFFFC000  }
0x2f: {  	_ =	swait.ge [sflag:s12], $0x4000  }
0x30: {  	[sflag:s12] =	ssyncset.done $0x0  }
0x31: {  	[sflag:s12] =	ssyncadd.s32 $0xFFFFC000  }
0x32: {  	[hbm4b:s13+s2] =	stream.linear.scatter [tilespmem:s8], [sflag:$0x3], $0x4000, $0x38;
	[tilespmem:$0x8100] =	vst v63  }
0x33: {  	_ =	swait.ge [sflag:s3], $0x4000  }
.Ltmp1:
0x34: {  	[sflag:s3] =	ssyncset.done $0x0;
	(pc) =	sbr.rel @p0 .LBB2_1-.Ltmp1, $4  }
0x35: {  	[sflag:s3] =	ssyncadd.s32 $0xFFFFC000  }
0x36: {  	[hbm4b:s14+s2] =	stream.linear.scatter [tilespmem:s10], [sflag:$0x3], $0x4000, $0x38;
	[tilespmem:$0x8100] =	vst v63  }
0x37: {  	_ =	swait.ge [sflag:s3], $0x4000  }
0x38: {  	[sflag:s3] =	ssyncset.done $0x0  }
.LBB2_2:
0x39: {  	[sflag:s3] =	ssyncadd.s32 $0xFFFFC000  }
0x3a: {  	_ =	sfence.sel $0x180000  }
0x3b: {  	[bflag:$0x0] =	sbarrier.arrive $0xFFFF  }
0x3c: {  	p0 =	sne.s32 s0, $0x0;
	_ =	strace $0x90000047  }
0x3d: {  	s0 =	sadd.s32 @!p0 $0x100000, s1;
	[bflag:$0x2] =	sbarrier.arrive $0xFFFF  }
0x3e: {  	[sflag:s0] =	ssyncadd.tile.s32 @!p0 $0x1;
	_ =	shalt  }
.Lfunc_end2:
_tile_overlayer_lowered:
.L_overlay_start_2:
0x3f: {  	(tag) =	ssettag $0x2  }
0x40: {  	s0 =	rddreg [dreg:$0x0];
	s2 =	stileid.u32  }
0x41: {  	s1 =	rddreg [dreg:$0x1];
	p0 =	sne.s32 s2, $0x0  }
0x42: {  	s3 =	rddreg [dreg:$0x2];
	[bflag:$0x3] =	sbarrier.arrive $0xFFFF;
	s2 =	simm.s32 @!p0 $0x1C03  }
0x43: {  	[timem:s3], [sflag:s2] =	dma.local @!p0 [hbm:s0], s1  }
0x44: {  	s0 =	simm.s32 @!p0 $0x3  }
0x45: {  	_ =	swait.ge @!p0 [sflag:s0], s1  }
0x46: {  	s1 =	ssub.s32 @!p0 $0x0, s1;
	[sflag:s0] =	ssyncset.done @!p0 $0x0  }
0x47: {  	[sflag:s0] =	ssyncadd.s32 @!p0 s1  }
0x48: {  	[bflag:$0x3] =	sbarrier.arrive $0xFFFF  }
0x49: {  	_ =	shalt  }

</sc_bundles>
